<compile_context>
chip_gen: v7x
topology: tpu7x:2x2x1
jax: 0.10.2.dev20260603
libtpu: 0.0.44.dev20260713+nightly
codegen_flags: <defaults>
</compile_context>

<pallas_src>
import jax
import jax.numpy as jnp
from jax import lax
from jax.experimental import pallas as pl
from jax.experimental.pallas import tpu as pltpu
from jax.experimental.pallas import tpu_sc as plsc

_EPSILON = 0.05
_B = 64
_V = 1_000_000
_L = 16
_NC = 2
_NS = 16
_NW = _NC * _NS
_RPW = _B // _NW
_CH = 40_000
_NCH = _V // _CH
_CVR = _CH // _L


def _body(x_hbm, samp_hbm, b_hbm, out_hbm, buf0, buf1, samp_v, b_v, row_v,
          sem0, sem1):
    wid = lax.axis_index("s") * _NC + lax.axis_index("c")
    r0 = wid * _RPW

    pltpu.sync_copy(samp_hbm, samp_v)
    pltpu.sync_copy(b_hbm, b_v)

    bufs = (buf0, buf1)
    sems = (sem0, sem1)




    neg_inf = jnp.full((_L,), -jnp.inf, jnp.float32)
    lane = jnp.arange(_L, dtype=jnp.int32)
    big = jnp.full((_L,), jnp.int32(2**31 - 1))
    _U = 8

    def chunk_max(buf):
        @plsc.parallel_loop(0, _CVR, step=_U, carry=(neg_inf,) * _U)
        def ms(i, c):
            out = []
            for u in range(_U):
                v = buf[pl.ds(pl.multiple_of((i + u) * _L, _L), _L)]
                out.append(jnp.maximum(c[u], v))
            return tuple(out)
        m = ms[0]
        for u in range(1, _U):
            m = jnp.maximum(m, ms[u])
        return jnp.max(m)

    def chunk_argeq(buf, cm, kbase):
        @plsc.parallel_loop(0, _CVR, step=_U, carry=(big,) * _U)
        def accs(i, c):
            out = []
            for u in range(_U):
                v = buf[pl.ds(pl.multiple_of((i + u) * _L, _L), _L)]
                idxv = jnp.broadcast_to((kbase + i + u) * _L, (_L,)) + lane
                out.append(jnp.minimum(c[u], jnp.where(v == cm, idxv, big)))
            return tuple(out)
        a = accs[0]
        for u in range(1, _U):
            a = jnp.minimum(a, accs[u])
        return jnp.min(a)

    def outer(k, carry):
        carry = list(carry)
        for rr in range(_RPW):
            pltpu.make_async_copy(chunk_src(rr, k), bufs[rr], sems[rr]).wait()
            cm = chunk_max(bufs[rr])
            bv, bi = carry[rr]
            carry[rr] = lax.cond(
                cm > bv,
                lambda buf=bufs[rr], cm=cm, k=k: (cm, chunk_argeq(buf, cm, k * _CVR)),
                lambda bv=bv, bi=bi: (bv, bi))

            @pl.when(k + 1 < _NCH)
            def _():
                pltpu.make_async_copy(
                    chunk_src(rr, k + 1), bufs[rr], sems[rr]).start()
        return tuple(carry)

    init = ((jnp.float32(-jnp.inf), jnp.int32(0)),) * _RPW
    final = init

    for rr in range(_RPW):
        _, best = final[rr]
        r = r0 + rr
        bvec = b_v[pl.ds(pl.multiple_of((r // _L) * _L, _L), _L)]
        bs = jnp.max(jnp.where(lane == r % _L, bvec, 0))
        for j in range(_B // _L):
            s = samp_v[pl.ds(j * _L, _L)]
            row_v[pl.ds(j * _L, _L)] = bs * best + (1 - bs) * s
        pltpu.sync_copy(row_v, out_hbm.at[pl.ds(r * _B, _B)])


def kernel(x):
    B, V = x.shape
    assert (B, V) == (_B, _V)
    k1 = jax.random.key(1)
    k2 = jax.random.key(2)
    sampled = jax.random.randint(k1, (B,), 0, V, dtype=jnp.int32)
    b = jax.random.bernoulli(k2, 1.0 - _EPSILON, (B, 1))
    b = b.astype(jnp.int32).reshape(B)
    mesh = plsc.VectorSubcoreMesh(
        core_axis_name="c", subcore_axis_name="s",
        num_cores=_NC, num_subcores=_NS)
    out = pl.kernel(
        _body,
        out_type=jax.ShapeDtypeStruct((_B * _B,), jnp.int32),
        mesh=mesh,
        compiler_params=pltpu.CompilerParams(needs_layout_passes=False, use_tc_tiling_on_sc=True),
        scratch_types=[
            pltpu.VMEM((_CH,), jnp.float32),
            pltpu.VMEM((_CH,), jnp.float32),
            pltpu.VMEM((_B,), jnp.int32),
            pltpu.VMEM((_B,), jnp.int32),
            pltpu.VMEM((_B,), jnp.int32),
            pltpu.SemaphoreType.DMA,
            pltpu.SemaphoreType.DMA,
        ],
    )(x, sampled, b)
    return out.reshape(_B, _B)

# --- scband reference (transcript-rebuilt; emitter-appended) ---
"""Pipeline reference for scband-epsilon-greedy-21844203667644 (READ-ONLY COPY).

The authoritative reference and input builder live on the scoring server;
editing this copy changes nothing except your own understanding.
"""

import jax, jax.numpy as jnp
import numpy as np

EPSILON = 0.05

def setup_inputs(seed: int = 0) -> dict:
    key = jax.random.key(seed)
    x = jax.random.normal(key, (64, 1000000), dtype=jnp.float32)
    return {"x": x}

def reference(x):
    B, V = x.shape
    # bests = x.max(dim=1, keepdim=True)[1]
    bests = jnp.argmax(x, axis=1, keepdims=True).astype(jnp.int32)  # [B, 1]
    # Categorical(probs=ones_like(x)).sample() -> uniform over vocab per row
    k1 = jax.random.key(1)
    k2 = jax.random.key(2)
    sampled = jax.random.randint(k1, (B,), 0, V, dtype=jnp.int32)  # [B]
    # Bernoulli(probs=1 - epsilon).sample().long(), shape [B, 1]
    b = jax.random.bernoulli(k2, 1.0 - EPSILON, (B, 1)).astype(jnp.int32)  # [B, 1]
    # Faithful to torch broadcasting: [B,1] * [B] -> [B,B]
    ret = bests * b + (1 - b) * sampled
    return ret

if __name__ == "__main__":
    import jax
    _d = setup_inputs()
    print(jax.jit(kernel)(*tuple(_d.values())))

</pallas_src>

<mosaic_0001>
#map = affine_map<(d0, d1) -> (0, 0)>
#map1 = affine_map<(d0, d1) -> (0)>
module attributes {stable_mosaic.version = 14 : i64} {
  func.func @_body(%arg0: i32, %arg1: i32, %arg2: memref<64x1000000xf32, #tpu.memory_space<hbm>>, %arg3: memref<64xi32, #tpu.memory_space<hbm>>, %arg4: memref<64xi32, #tpu.memory_space<hbm>>, %arg5: memref<4096xi32, #tpu.memory_space<hbm>>, %arg6: memref<40000xf32, #tpu.memory_space<vmem>>, %arg7: memref<40000xf32, #tpu.memory_space<vmem>>, %arg8: memref<64xi32, #tpu.memory_space<vmem>>, %arg9: memref<64xi32, #tpu.memory_space<vmem>>, %arg10: memref<64xi32, #tpu.memory_space<vmem>>, %arg11: memref<!tpu.dma_semaphore, #tpu.memory_space<semaphore_mem>>, %arg12: memref<!tpu.dma_semaphore, #tpu.memory_space<semaphore_mem>>) attributes {dimension_semantics = [#tpu.dimension_semantics<core_parallel>, #tpu.dimension_semantics<subcore_parallel>], iteration_bounds = array<i64: 2, 16>, scalar_prefetch = 0 : i64, scratch_operands = 7 : i64, tpu.core_type = #tpu.core_type<sc_vector_subcore>, window_params = [{transform_indices = #map}, {transform_indices = #map1}, {transform_indices = #map1}, {transform_indices = #map1}]} {
    %mul3A = arith.constant 2 : i32
    %mul3A_0 = arith.muli %arg1, %mul3A : i32
    %add3A = arith.addi %mul3A_0, %arg0 : i32
    %mul3A_1 = arith.constant 2 : i32
    %mul3A_2 = arith.muli %add3A, %mul3A_1 : i32
    "tpu.region"() ({
      %run_scoped3A = tpu.sem_alloc : memref<!tpu.dma_semaphore, #tpu.memory_space<semaphore_mem>>
      tpu.enqueue_dma source(%arg3 : memref<64xi32, #tpu.memory_space<hbm>>) target(%arg8 : memref<64xi32, #tpu.memory_space<vmem>>) target_semaphore(%run_scoped3A : memref<!tpu.dma_semaphore, #tpu.memory_space<semaphore_mem>>)
      tpu.wait_dma2 semaphore(%run_scoped3A : memref<!tpu.dma_semaphore, #tpu.memory_space<semaphore_mem>>) src(%arg3 : memref<64xi32, #tpu.memory_space<hbm>>) dst(%arg8 : memref<64xi32, #tpu.memory_space<vmem>>)
      tpu.yield
    }) : () -> ()
    "tpu.region"() ({
      %run_scoped3A = tpu.sem_alloc : memref<!tpu.dma_semaphore, #tpu.memory_space<semaphore_mem>>
      tpu.enqueue_dma source(%arg4 : memref<64xi32, #tpu.memory_space<hbm>>) target(%arg9 : memref<64xi32, #tpu.memory_space<vmem>>) target_semaphore(%run_scoped3A : memref<!tpu.dma_semaphore, #tpu.memory_space<semaphore_mem>>)
      tpu.wait_dma2 semaphore(%run_scoped3A : memref<!tpu.dma_semaphore, #tpu.memory_space<semaphore_mem>>) src(%arg4 : memref<64xi32, #tpu.memory_space<hbm>>) dst(%arg9 : memref<64xi32, #tpu.memory_space<vmem>>)
      tpu.yield
    }) : () -> ()
    %broadcast_in_dim3A = arith.constant 0xFF800000 : f32
    %broadcast_in_dim3A_3 = vector.broadcast %broadcast_in_dim3A : f32 to vector<16xf32>
    %iota3A = tpu.iota {dimensions = array<i32: 0>} : vector<16xi32>
    %broadcast_in_dim3A_4 = arith.constant 2147483647 : i32
    %broadcast_in_dim3A_5 = vector.broadcast %broadcast_in_dim3A_4 : i32 to vector<16xi32>
    %add3A_6 = arith.constant 0 : i32
    %add3A_7 = arith.addi %mul3A_2, %add3A_6 : i32
    %jit3A = arith.constant 16 : i32
    %div3A = arith.divsi %add3A_7, %jit3A : i32
    %sign3A = arith.constant 0 : i32
    %sign3A_8 = arith.cmpi sgt, %add3A_7, %sign3A : i32
    %sign3A_9 = arith.extui %sign3A_8 : i1 to i32
    %sign3A_10 = arith.constant 0 : i32
    %sign3A_11 = arith.cmpi slt, %add3A_7, %sign3A_10 : i32
    %sign3A_12 = arith.extui %sign3A_11 : i1 to i32
    %sign3A_13 = arith.subi %sign3A_9, %sign3A_12 : i32
    %sign3A_14 = arith.constant 0 : i32
    %sign3A_15 = arith.cmpi sgt, %jit3A, %sign3A_14 : i32
    %sign3A_16 = arith.extui %sign3A_15 : i1 to i32
    %sign3A_17 = arith.constant 0 : i32
    %sign3A_18 = arith.cmpi slt, %jit3A, %sign3A_17 : i32
    %sign3A_19 = arith.extui %sign3A_18 : i1 to i32
    %sign3A_20 = arith.subi %sign3A_16, %sign3A_19 : i32
    %ne3A = arith.cmpi ne, %sign3A_13, %sign3A_20 : i32
    %rem3A = arith.remsi %add3A_7, %jit3A : i32
    %ne3A_21 = arith.constant 0 : i32
    %ne3A_22 = arith.cmpi ne, %rem3A, %ne3A_21 : i32
    %and3A = arith.andi %ne3A, %ne3A_22 : i1
    %sub3A = arith.constant 1 : i32
    %sub3A_23 = arith.subi %div3A, %sub3A : i32
    %select_n3A = arith.select %and3A, %sub3A_23, %div3A : i32
    %mul3A_24 = arith.constant 16 : i32
    %mul3A_25 = arith.muli %select_n3A, %mul3A_24 : i32
    %multiple_of3A = tpu.assume_multiple %mul3A_25, 16 : i32
    %get3A = arith.index_cast %multiple_of3A : i32 to index
    %get3A_26 = tpu.vector_load %arg9[%get3A] {strides = array<i32>} : memref<64xi32, #tpu.memory_space<vmem>>, vector<16xi32>,
    %jit3A_27 = arith.constant 16 : i32
    %eq3A = arith.constant 0 : i32
    %eq3A_28 = arith.cmpi eq, %jit3A_27, %eq3A : i32
    %jit3A_29 = arith.constant 1 : i32
    %select_n3A_30 = arith.select %eq3A_28, %jit3A_29, %jit3A_27 : i32
    %rem3A_31 = arith.remsi %add3A_7, %select_n3A_30 : i32
    %ne3A_32 = arith.constant 0 : i32
    %ne3A_33 = arith.cmpi ne, %rem3A_31, %ne3A_32 : i32
    %lt3A = arith.constant 0 : i32
    %lt3A_34 = arith.cmpi slt, %rem3A_31, %lt3A : i32
    %lt3A_35 = arith.constant 0 : i32
    %lt3A_36 = arith.cmpi slt, %select_n3A_30, %lt3A_35 : i32
    %ne3A_37 = arith.xori %lt3A_34, %lt3A_36 : i1
    %and3A_38 = arith.andi %ne3A_37, %ne3A_33 : i1
    %add3A_39 = arith.addi %rem3A_31, %select_n3A_30 : i32
    %select_n3A_40 = arith.select %and3A_38, %add3A_39, %rem3A_31 : i32
    %eq3A_41 = vector.broadcast %select_n3A_40 : i32 to vector<16xi32>
    %eq3A_42 = arith.cmpi eq, %iota3A, %eq3A_41 : vector<16xi32>
    %jit3A_43 = arith.constant 0 : i32
    %broadcast_in_dim3A_44 = vector.broadcast %jit3A_43 : i32 to vector<16xi32>
    %select_n3A_45 = arith.select %eq3A_42, %get3A_26, %broadcast_in_dim3A_44 : vector<16xi1>, vector<16xi32>
    %reduce_max3A = arith.constant true
    %reduce_max3A_46 = vector.broadcast %reduce_max3A : i1 to vector<16xi1>
    %reduce_max3A_47 = arith.constant -2147483648 : i32
    %reduce_max3A_48 = vector.broadcast %reduce_max3A_47 : i32 to vector<16xi32>
    %reduce_max3A_49 = arith.xori %select_n3A_45, %reduce_max3A_48 : vector<16xi32>
    %reduce_max3A_50 = tpu.scan <max>, %reduce_max3A_49 masked %reduce_max3A_46 : vector<16xi32>, vector<16xi1> -> vector<16xi32>
    %reduce_max3A_51 = arith.xori %reduce_max3A_50, %reduce_max3A_48 : vector<16xi32>
    %reduce_max3A_52 = vector.extract %reduce_max3A_51[15] : i32 from vector<16xi32>
    %get3A_53 = arith.constant 0 : index
    %get3A_54 = tpu.vector_load %arg8[%get3A_53] {strides = array<i32>} : memref<64xi32, #tpu.memory_space<vmem>>, vector<16xi32>,
    %mul3A_55 = arith.constant 0 : i32
    %mul3A_56 = arith.muli %reduce_max3A_52, %mul3A_55 : i32
    %sub3A_57 = arith.constant 1 : i32
    %sub3A_58 = arith.subi %sub3A_57, %reduce_max3A_52 : i32
    %mul3A_59 = vector.broadcast %sub3A_58 : i32 to vector<16xi32>
    %mul3A_60 = arith.muli %mul3A_59, %get3A_54 : vector<16xi32>
    %add3A_61 = vector.broadcast %mul3A_56 : i32 to vector<16xi32>
    %add3A_62 = arith.addi %add3A_61, %mul3A_60 : vector<16xi32>
    %swap3A = arith.constant 0 : index
    %swap3A_63 = tpu.vector_load %arg10[%swap3A] {strides = array<i32>} : memref<64xi32, #tpu.memory_space<vmem>>, vector<16xi32>,
    tpu.vector_store %arg10[%swap3A], %add3A_62 {strides = array<i32>} : memref<64xi32, #tpu.memory_space<vmem>>, vector<16xi32>,
    %get3A_64 = arith.constant 16 : index
    %get3A_65 = tpu.vector_load %arg8[%get3A_64] {strides = array<i32>} : memref<64xi32, #tpu.memory_space<vmem>>, vector<16xi32>,
    %mul3A_66 = arith.constant 0 : i32
    %mul3A_67 = arith.muli %reduce_max3A_52, %mul3A_66 : i32
    %sub3A_68 = arith.constant 1 : i32
    %sub3A_69 = arith.subi %sub3A_68, %reduce_max3A_52 : i32
    %mul3A_70 = vector.broadcast %sub3A_69 : i32 to vector<16xi32>
    %mul3A_71 = arith.muli %mul3A_70, %get3A_65 : vector<16xi32>
    %add3A_72 = vector.broadcast %mul3A_67 : i32 to vector<16xi32>
    %add3A_73 = arith.addi %add3A_72, %mul3A_71 : vector<16xi32>
    %swap3A_74 = arith.constant 16 : index
    %swap3A_75 = tpu.vector_load %arg10[%swap3A_74] {strides = array<i32>} : memref<64xi32, #tpu.memory_space<vmem>>, vector<16xi32>,
    tpu.vector_store %arg10[%swap3A_74], %add3A_73 {strides = array<i32>} : memref<64xi32, #tpu.memory_space<vmem>>, vector<16xi32>,
    %get3A_76 = arith.constant 32 : index
    %get3A_77 = tpu.vector_load %arg8[%get3A_76] {strides = array<i32>} : memref<64xi32, #tpu.memory_space<vmem>>, vector<16xi32>,
    %mul3A_78 = arith.constant 0 : i32
    %mul3A_79 = arith.muli %reduce_max3A_52, %mul3A_78 : i32
    %sub3A_80 = arith.constant 1 : i32
    %sub3A_81 = arith.subi %sub3A_80, %reduce_max3A_52 : i32
    %mul3A_82 = vector.broadcast %sub3A_81 : i32 to vector<16xi32>
    %mul3A_83 = arith.muli %mul3A_82, %get3A_77 : vector<16xi32>
    %add3A_84 = vector.broadcast %mul3A_79 : i32 to vector<16xi32>
    %add3A_85 = arith.addi %add3A_84, %mul3A_83 : vector<16xi32>
    %swap3A_86 = arith.constant 32 : index
    %swap3A_87 = tpu.vector_load %arg10[%swap3A_86] {strides = array<i32>} : memref<64xi32, #tpu.memory_space<vmem>>, vector<16xi32>,
    tpu.vector_store %arg10[%swap3A_86], %add3A_85 {strides = array<i32>} : memref<64xi32, #tpu.memory_space<vmem>>, vector<16xi32>,
    %get3A_88 = arith.constant 48 : index
    %get3A_89 = tpu.vector_load %arg8[%get3A_88] {strides = array<i32>} : memref<64xi32, #tpu.memory_space<vmem>>, vector<16xi32>,
    %mul3A_90 = arith.constant 0 : i32
    %mul3A_91 = arith.muli %reduce_max3A_52, %mul3A_90 : i32
    %sub3A_92 = arith.constant 1 : i32
    %sub3A_93 = arith.subi %sub3A_92, %reduce_max3A_52 : i32
    %mul3A_94 = vector.broadcast %sub3A_93 : i32 to vector<16xi32>
    %mul3A_95 = arith.muli %mul3A_94, %get3A_89 : vector<16xi32>
    %add3A_96 = vector.broadcast %mul3A_91 : i32 to vector<16xi32>
    %add3A_97 = arith.addi %add3A_96, %mul3A_95 : vector<16xi32>
    %swap3A_98 = arith.constant 48 : index
    %swap3A_99 = tpu.vector_load %arg10[%swap3A_98] {strides = array<i32>} : memref<64xi32, #tpu.memory_space<vmem>>, vector<16xi32>,
    tpu.vector_store %arg10[%swap3A_98], %add3A_97 {strides = array<i32>} : memref<64xi32, #tpu.memory_space<vmem>>, vector<16xi32>,
    %mul3A_100 = arith.constant 64 : i32
    %mul3A_101 = arith.muli %add3A_7, %mul3A_100 : i32
    "tpu.region"() ({
      %run_scoped3A = tpu.sem_alloc : memref<!tpu.dma_semaphore, #tpu.memory_space<semaphore_mem>>
      %dma_start3A = tpu.memref_slice %arg5[%mul3A_101] : memref<4096xi32, #tpu.memory_space<hbm>> -> memref<64xi32, #tpu.memory_space<hbm>>
      %dma_start3A_212 = tpu.memref_slice %arg5[%mul3A_101] : memref<4096xi32, #tpu.memory_space<hbm>> -> memref<64xi32, #tpu.memory_space<hbm>>
      tpu.enqueue_dma source(%arg10 : memref<64xi32, #tpu.memory_space<vmem>>) target(%dma_start3A_212 : memref<64xi32, #tpu.memory_space<hbm>>) target_semaphore(%run_scoped3A : memref<!tpu.dma_semaphore, #tpu.memory_space<semaphore_mem>>)
      %dma_wait3A = tpu.memref_slice %arg5[%mul3A_101] : memref<4096xi32, #tpu.memory_space<hbm>> -> memref<64xi32, #tpu.memory_space<hbm>>
      %dma_wait3A_213 = tpu.memref_slice %arg5[%mul3A_101] : memref<4096xi32, #tpu.memory_space<hbm>> -> memref<64xi32, #tpu.memory_space<hbm>>
      tpu.wait_dma2 semaphore(%run_scoped3A : memref<!tpu.dma_semaphore, #tpu.memory_space<semaphore_mem>>) src(%arg10 : memref<64xi32, #tpu.memory_space<vmem>>) dst(%dma_wait3A_213 : memref<64xi32, #tpu.memory_space<hbm>>)
      tpu.yield
    }) : () -> ()
    %add3A_102 = arith.constant 1 : i32
    %add3A_103 = arith.addi %mul3A_2, %add3A_102 : i32
    %jit3A_104 = arith.constant 16 : i32
    %div3A_105 = arith.divsi %add3A_103, %jit3A_104 : i32
    %sign3A_106 = arith.constant 0 : i32
    %sign3A_107 = arith.cmpi sgt, %add3A_103, %sign3A_106 : i32
    %sign3A_108 = arith.extui %sign3A_107 : i1 to i32
    %sign3A_109 = arith.constant 0 : i32
    %sign3A_110 = arith.cmpi slt, %add3A_103, %sign3A_109 : i32
    %sign3A_111 = arith.extui %sign3A_110 : i1 to i32
    %sign3A_112 = arith.subi %sign3A_108, %sign3A_111 : i32
    %sign3A_113 = arith.constant 0 : i32
    %sign3A_114 = arith.cmpi sgt, %jit3A_104, %sign3A_113 : i32
    %sign3A_115 = arith.extui %sign3A_114 : i1 to i32
    %sign3A_116 = arith.constant 0 : i32
    %sign3A_117 = arith.cmpi slt, %jit3A_104, %sign3A_116 : i32
    %sign3A_118 = arith.extui %sign3A_117 : i1 to i32
    %sign3A_119 = arith.subi %sign3A_115, %sign3A_118 : i32
    %ne3A_120 = arith.cmpi ne, %sign3A_112, %sign3A_119 : i32
    %rem3A_121 = arith.remsi %add3A_103, %jit3A_104 : i32
    %ne3A_122 = arith.constant 0 : i32
    %ne3A_123 = arith.cmpi ne, %rem3A_121, %ne3A_122 : i32
    %and3A_124 = arith.andi %ne3A_120, %ne3A_123 : i1
    %sub3A_125 = arith.constant 1 : i32
    %sub3A_126 = arith.subi %div3A_105, %sub3A_125 : i32
    %select_n3A_127 = arith.select %and3A_124, %sub3A_126, %div3A_105 : i32
    %mul3A_128 = arith.constant 16 : i32
    %mul3A_129 = arith.muli %select_n3A_127, %mul3A_128 : i32
    %multiple_of3A_130 = tpu.assume_multiple %mul3A_129, 16 : i32
    %get3A_131 = arith.index_cast %multiple_of3A_130 : i32 to index
    %get3A_132 = tpu.vector_load %arg9[%get3A_131] {strides = array<i32>} : memref<64xi32, #tpu.memory_space<vmem>>, vector<16xi32>,
    %jit3A_133 = arith.constant 16 : i32
    %eq3A_134 = arith.constant 0 : i32
    %eq3A_135 = arith.cmpi eq, %jit3A_133, %eq3A_134 : i32
    %jit3A_136 = arith.constant 1 : i32
    %select_n3A_137 = arith.select %eq3A_135, %jit3A_136, %jit3A_133 : i32
    %rem3A_138 = arith.remsi %add3A_103, %select_n3A_137 : i32
    %ne3A_139 = arith.constant 0 : i32
    %ne3A_140 = arith.cmpi ne, %rem3A_138, %ne3A_139 : i32
    %lt3A_141 = arith.constant 0 : i32
    %lt3A_142 = arith.cmpi slt, %rem3A_138, %lt3A_141 : i32
    %lt3A_143 = arith.constant 0 : i32
    %lt3A_144 = arith.cmpi slt, %select_n3A_137, %lt3A_143 : i32
    %ne3A_145 = arith.xori %lt3A_142, %lt3A_144 : i1
    %and3A_146 = arith.andi %ne3A_145, %ne3A_140 : i1
    %add3A_147 = arith.addi %rem3A_138, %select_n3A_137 : i32
    %select_n3A_148 = arith.select %and3A_146, %add3A_147, %rem3A_138 : i32
    %eq3A_149 = vector.broadcast %select_n3A_148 : i32 to vector<16xi32>
    %eq3A_150 = arith.cmpi eq, %iota3A, %eq3A_149 : vector<16xi32>
    %jit3A_151 = arith.constant 0 : i32
    %broadcast_in_dim3A_152 = vector.broadcast %jit3A_151 : i32 to vector<16xi32>
    %select_n3A_153 = arith.select %eq3A_150, %get3A_132, %broadcast_in_dim3A_152 : vector<16xi1>, vector<16xi32>
    %reduce_max3A_154 = arith.constant true
    %reduce_max3A_155 = vector.broadcast %reduce_max3A_154 : i1 to vector<16xi1>
    %reduce_max3A_156 = arith.constant -2147483648 : i32
    %reduce_max3A_157 = vector.broadcast %reduce_max3A_156 : i32 to vector<16xi32>
    %reduce_max3A_158 = arith.xori %select_n3A_153, %reduce_max3A_157 : vector<16xi32>
    %reduce_max3A_159 = tpu.scan <max>, %reduce_max3A_158 masked %reduce_max3A_155 : vector<16xi32>, vector<16xi1> -> vector<16xi32>
    %reduce_max3A_160 = arith.xori %reduce_max3A_159, %reduce_max3A_157 : vector<16xi32>
    %reduce_max3A_161 = vector.extract %reduce_max3A_160[15] : i32 from vector<16xi32>
    %get3A_162 = arith.constant 0 : index
    %get3A_163 = tpu.vector_load %arg8[%get3A_162] {strides = array<i32>} : memref<64xi32, #tpu.memory_space<vmem>>, vector<16xi32>,
    %mul3A_164 = arith.constant 0 : i32
    %mul3A_165 = arith.muli %reduce_max3A_161, %mul3A_164 : i32
    %sub3A_166 = arith.constant 1 : i32
    %sub3A_167 = arith.subi %sub3A_166, %reduce_max3A_161 : i32
    %mul3A_168 = vector.broadcast %sub3A_167 : i32 to vector<16xi32>
    %mul3A_169 = arith.muli %mul3A_168, %get3A_163 : vector<16xi32>
    %add3A_170 = vector.broadcast %mul3A_165 : i32 to vector<16xi32>
    %add3A_171 = arith.addi %add3A_170, %mul3A_169 : vector<16xi32>
    %swap3A_172 = arith.constant 0 : index
    %swap3A_173 = tpu.vector_load %arg10[%swap3A_172] {strides = array<i32>} : memref<64xi32, #tpu.memory_space<vmem>>, vector<16xi32>,
    tpu.vector_store %arg10[%swap3A_172], %add3A_171 {strides = array<i32>} : memref<64xi32, #tpu.memory_space<vmem>>, vector<16xi32>,
    %get3A_174 = arith.constant 16 : index
    %get3A_175 = tpu.vector_load %arg8[%get3A_174] {strides = array<i32>} : memref<64xi32, #tpu.memory_space<vmem>>, vector<16xi32>,
    %mul3A_176 = arith.constant 0 : i32
    %mul3A_177 = arith.muli %reduce_max3A_161, %mul3A_176 : i32
    %sub3A_178 = arith.constant 1 : i32
    %sub3A_179 = arith.subi %sub3A_178, %reduce_max3A_161 : i32
    %mul3A_180 = vector.broadcast %sub3A_179 : i32 to vector<16xi32>
    %mul3A_181 = arith.muli %mul3A_180, %get3A_175 : vector<16xi32>
    %add3A_182 = vector.broadcast %mul3A_177 : i32 to vector<16xi32>
    %add3A_183 = arith.addi %add3A_182, %mul3A_181 : vector<16xi32>
    %swap3A_184 = arith.constant 16 : index
    %swap3A_185 = tpu.vector_load %arg10[%swap3A_184] {strides = array<i32>} : memref<64xi32, #tpu.memory_space<vmem>>, vector<16xi32>,
    tpu.vector_store %arg10[%swap3A_184], %add3A_183 {strides = array<i32>} : memref<64xi32, #tpu.memory_space<vmem>>, vector<16xi32>,
    %get3A_186 = arith.constant 32 : index
    %get3A_187 = tpu.vector_load %arg8[%get3A_186] {strides = array<i32>} : memref<64xi32, #tpu.memory_space<vmem>>, vector<16xi32>,
    %mul3A_188 = arith.constant 0 : i32
    %mul3A_189 = arith.muli %reduce_max3A_161, %mul3A_188 : i32
    %sub3A_190 = arith.constant 1 : i32
    %sub3A_191 = arith.subi %sub3A_190, %reduce_max3A_161 : i32
    %mul3A_192 = vector.broadcast %sub3A_191 : i32 to vector<16xi32>
    %mul3A_193 = arith.muli %mul3A_192, %get3A_187 : vector<16xi32>
    %add3A_194 = vector.broadcast %mul3A_189 : i32 to vector<16xi32>
    %add3A_195 = arith.addi %add3A_194, %mul3A_193 : vector<16xi32>
    %swap3A_196 = arith.constant 32 : index
    %swap3A_197 = tpu.vector_load %arg10[%swap3A_196] {strides = array<i32>} : memref<64xi32, #tpu.memory_space<vmem>>, vector<16xi32>,
    tpu.vector_store %arg10[%swap3A_196], %add3A_195 {strides = array<i32>} : memref<64xi32, #tpu.memory_space<vmem>>, vector<16xi32>,
    %get3A_198 = arith.constant 48 : index
    %get3A_199 = tpu.vector_load %arg8[%get3A_198] {strides = array<i32>} : memref<64xi32, #tpu.memory_space<vmem>>, vector<16xi32>,
    %mul3A_200 = arith.constant 0 : i32
    %mul3A_201 = arith.muli %reduce_max3A_161, %mul3A_200 : i32
    %sub3A_202 = arith.constant 1 : i32
    %sub3A_203 = arith.subi %sub3A_202, %reduce_max3A_161 : i32
    %mul3A_204 = vector.broadcast %sub3A_203 : i32 to vector<16xi32>
    %mul3A_205 = arith.muli %mul3A_204, %get3A_199 : vector<16xi32>
    %add3A_206 = vector.broadcast %mul3A_201 : i32 to vector<16xi32>
    %add3A_207 = arith.addi %add3A_206, %mul3A_205 : vector<16xi32>
    %swap3A_208 = arith.constant 48 : index
    %swap3A_209 = tpu.vector_load %arg10[%swap3A_208] {strides = array<i32>} : memref<64xi32, #tpu.memory_space<vmem>>, vector<16xi32>,
    tpu.vector_store %arg10[%swap3A_208], %add3A_207 {strides = array<i32>} : memref<64xi32, #tpu.memory_space<vmem>>, vector<16xi32>,
    %mul3A_210 = arith.constant 64 : i32
    %mul3A_211 = arith.muli %add3A_103, %mul3A_210 : i32
    "tpu.region"() ({
      %run_scoped3A = tpu.sem_alloc : memref<!tpu.dma_semaphore, #tpu.memory_space<semaphore_mem>>
      %dma_start3A = tpu.memref_slice %arg5[%mul3A_211] : memref<4096xi32, #tpu.memory_space<hbm>> -> memref<64xi32, #tpu.memory_space<hbm>>
      %dma_start3A_212 = tpu.memref_slice %arg5[%mul3A_211] : memref<4096xi32, #tpu.memory_space<hbm>> -> memref<64xi32, #tpu.memory_space<hbm>>
      tpu.enqueue_dma source(%arg10 : memref<64xi32, #tpu.memory_space<vmem>>) target(%dma_start3A_212 : memref<64xi32, #tpu.memory_space<hbm>>) target_semaphore(%run_scoped3A : memref<!tpu.dma_semaphore, #tpu.memory_space<semaphore_mem>>)
      %dma_wait3A = tpu.memref_slice %arg5[%mul3A_211] : memref<4096xi32, #tpu.memory_space<hbm>> -> memref<64xi32, #tpu.memory_space<hbm>>
      %dma_wait3A_213 = tpu.memref_slice %arg5[%mul3A_211] : memref<4096xi32, #tpu.memory_space<hbm>> -> memref<64xi32, #tpu.memory_space<hbm>>
      tpu.wait_dma2 semaphore(%run_scoped3A : memref<!tpu.dma_semaphore, #tpu.memory_space<semaphore_mem>>) src(%arg10 : memref<64xi32, #tpu.memory_space<vmem>>) dst(%dma_wait3A_213 : memref<64xi32, #tpu.memory_space<hbm>>)
      tpu.yield
    }) : () -> ()
    return
  }
}

</mosaic_0001>

<sc_bundles>
// kernel: kernel.3.cloned.1.call-start
scs
__scs_entry_jumppad:
0x0: {  	(pc) =	sbr.rel $0x88, $3  }
0x1: {  	(tag) =	ssettag $0x0;
	lr =	simm.s32 $0x1  }
0x2: {  	[smem:$0x3FA0] =	sst lr;
	_ =	strace $0xD0000000  }
0x3: {  	_ = 	snop  }
0x4: {  	_ = 	snop  }
0x5: {  	_ = 	snop  }
0x6: {  	_ = 	snop  }
0x7: {  	_ = 	snop  }
__scs_overlays_trampoline_lowered:
0x8: {  	[smem:$0x3FAF] =	sst s0  }
0x9: {  	[smem:$0x3FB0] =	sst s1  }
0xa: {  	[smem:$0x3FB1] =	sst s2  }
0xb: {  	[smem:$0x3FB2] =	sst s3  }
0xc: {  	[smem:$0x3FB3] =	sst s4  }
0xd: {  	[smem:$0x3FB4] =	sst s5  }
0xe: {  	[smem:$0x3FB5] =	sst s6  }
0xf: {  	[smem:$0x3FB6] =	sst s7  }
0x10: {  	[smem:$0x3FB7] =	sst s8  }
0x11: {  	[smem:$0x3FB8] =	sst s9;
	s0 =	simm.s32 @!p0 $0x0  }
0x12: {  	s1 =	sld [smem:$0x3F9E];
	s0 =	simm.s32 @p0 $0x1  }
0x13: {  	[smem:$0x3FB9] =	sst s0;
	s0 =	simm.s32 @!p1 $0x0  }
0x14: {  	s2 =	sld [smem:$0x3F9D];
	s0 =	simm.s32 @p1 $0x1  }
0x15: {  	[smem:$0x3FBA] =	sst s0;
	s0 =	simm.s32 @!p2 $0x0  }
0x16: {  	s3 =	sld [smem:$0x3FDB];
	s0 =	simm.s32 @p2 $0x1  }
0x17: {  	s4 =	simm.s32 $0x1BF5;
	[smem:$0x3FBC] =	sst s0  }
0x18: {  	s0 =	sld [smem:$0x3F9F];
	_ =	swait.ge [sflag:s4], $0x0  }
0x19: {  	s7 =	sld [smem:$0x3FA0]  }
0x1a: {  	s8 =	sadd.s32 $0xFFFFE003, lr  }
0x1b: {  	s9 =	sadd.s32 $0xFFFFFEF7, lr;
	s5 =	simm.s32 $0xFFFFFFFF;
	p2 =	slt.u32 s8, $0xFFFFF086  }
0x1c: {  	p1 =	slt.u32 s9, $0xF7A;
	s5 =	simm.s32 @!p2 $0x0  }
0x1d: {  	s5 =	simm.s32 @p1 $0x1;
	p0 =	seq.s32 s7, s2  }
0x1e: {  	s7 =	smul.u32 @!p0 $0xF7A, s2;
	p2 =	seq.s32 @!p0 s5, $0x0  }
0x1f: {  	s9 =	smul.u32 $0xF7A, s1;
	s8 =	simm.s32 @!p0 $0x1BF5;
	p2 =	por !p2, p0  }
0x20: {  	[sflag:s8] =	ssyncset.s32 @!p0 $0xFFFFF086;
	s6 =	sadd.s32 @!p0 s3, s7;
	s7 =	simm.s32 @!p0 $0x108  }
0x21: {  	s3 =	sadd.s32 s3, s9;
	s6 =	sadd.s32 @!p0 $0x88, s6;
	s7 =	simm.s32 @p2 $0x1082  }
0x22: {  	[simem:s7], [sflag:s8] =	dma.local @!p0 [hbm:s6], $0xF7A  }
0x23: {  	s9 =	sor.u32 $0xD0000000, s2;
	s6 =	simm.s32 $0x108;
	_ =	swait.ge @!p0 [sflag:s8], $0x0  }
0x24: {  	s3 =	sadd.s32 $0x88, s3;
	s6 =	simm.s32 @!p1 $0x1082;
	[sflag:s4] =	ssyncset.s32 $0xFFFFF086  }
0x25: {  	[simem:s6], [sflag:s4] =	dma.local [hbm:s3], $0xF7A  }
0x26: {  	[smem:$0x3FA0] =	sst s1;
	(tag) =	ssettag s2;
	_ =	strace s9  }
0x27: {  	s1 =	sld [smem:$0x3FB0]  }
0x28: {  	s2 =	sld [smem:$0x3FB1]  }
0x29: {  	s4 =	sld [smem:$0x3FB3]  }
0x2a: {  	p0 =	seq.s32 s5, $0x0;
	s5 =	sld [smem:$0x3FB4]  }
0x2b: {  	s6 =	sld [smem:$0x3FB5]  }
0x2c: {  	s7 =	sld [smem:$0x3FB6]  }
0x2d: {  	s3 =	simm.s32 $0x108;
	s8 =	sld [smem:$0x3FB7]  }
0x2e: {  	s3 =	simm.s32 @!p0 $0x1082;
	s9 =	sld [smem:$0x3FB8]  }
0x2f: {  	lr =	sadd.s32 s0, s3;
	s0 =	sld [smem:$0x3FAF]  }
0x30: {  	s3 =	sld [smem:$0x3FB2]  }
0x31: {  	[smem:$0x3FBB] =	sst s10  }
0x32: {  	s10 =	sld [smem:$0x3FB9];
	_ =	sdelay $0x3  }
0x33: {  	p0 =	seq.s32 s10, $0x1;
	s10 =	sld [smem:$0x3FBB];
	_ =	sdelay $0x3  }
0x34: {  	[smem:$0x3FBB] =	sst s10  }
0x35: {  	s10 =	sld [smem:$0x3FBA];
	_ =	sdelay $0x3  }
0x36: {  	p1 =	seq.s32 s10, $0x1;
	s10 =	sld [smem:$0x3FBB];
	_ =	sdelay $0x3  }
0x37: {  	[smem:$0x3FBB] =	sst s10  }
0x38: {  	s10 =	sld [smem:$0x3FBC]  }
0x39: {  	_ = 	snop;
	(pc) =	sbr.ind lr, $3  }
0x3a: {  	_ = 	snop  }
0x3b: {  	_ = 	snop  }
0x3c: {  	p2 =	seq.s32 s10, $0x1;
	s10 =	sld [smem:$0x3FBB]  }
0x3d: {  	_ =	shalt  }
0x3e: {  	_ =	shalt  }
0x3f: {  	_ =	shalt  }
0x40: {  	_ =	shalt  }
0x41: {  	_ =	shalt  }
0x42: {  	_ =	shalt  }
0x43: {  	_ =	shalt  }
0x44: {  	_ =	shalt  }
0x45: {  	_ =	shalt  }
0x46: {  	_ =	shalt  }
0x47: {  	_ =	shalt  }
0x48: {  	_ =	shalt  }
0x49: {  	_ =	shalt  }
0x4a: {  	_ =	shalt  }
0x4b: {  	_ =	shalt  }
0x4c: {  	_ =	shalt  }
0x4d: {  	_ =	shalt  }
0x4e: {  	_ =	shalt  }
0x4f: {  	_ =	shalt  }
0x50: {  	_ =	shalt  }
0x51: {  	_ =	shalt  }
0x52: {  	_ =	shalt  }
0x53: {  	_ =	shalt  }
0x54: {  	_ =	shalt  }
0x55: {  	_ =	shalt  }
0x56: {  	_ =	shalt  }
0x57: {  	_ =	shalt  }
0x58: {  	_ =	shalt  }
0x59: {  	_ =	shalt  }
0x5a: {  	_ =	shalt  }
0x5b: {  	_ =	shalt  }
0x5c: {  	_ =	shalt  }
0x5d: {  	_ =	shalt  }
0x5e: {  	_ =	shalt  }
0x5f: {  	_ =	shalt  }
0x60: {  	_ =	shalt  }
0x61: {  	_ =	shalt  }
0x62: {  	_ =	shalt  }
0x63: {  	_ =	shalt  }
0x64: {  	_ =	shalt  }
0x65: {  	_ =	shalt  }
0x66: {  	_ =	shalt  }
0x67: {  	_ =	shalt  }
0x68: {  	_ =	shalt  }
0x69: {  	_ =	shalt  }
0x6a: {  	_ =	shalt  }
0x6b: {  	_ =	shalt  }
0x6c: {  	_ =	shalt  }
0x6d: {  	_ =	shalt  }
0x6e: {  	_ =	shalt  }
0x6f: {  	_ =	shalt  }
0x70: {  	_ =	shalt  }
0x71: {  	_ =	shalt  }
0x72: {  	_ =	shalt  }
0x73: {  	_ =	shalt  }
0x74: {  	_ =	shalt  }
0x75: {  	_ =	shalt  }
0x76: {  	_ =	shalt  }
0x77: {  	_ =	shalt  }
0x78: {  	_ =	shalt  }
0x79: {  	_ =	shalt  }
0x7a: {  	_ =	shalt  }
0x7b: {  	_ =	shalt  }
0x7c: {  	_ =	shalt  }
0x7d: {  	_ =	shalt  }
0x7e: {  	_ =	shalt  }
0x7f: {  	_ =	shalt  }
0x80: {  	_ =	shalt  }
0x81: {  	_ =	shalt  }
0x82: {  	_ =	shalt  }
0x83: {  	_ =	shalt  }
0x84: {  	_ =	shalt  }
0x85: {  	_ =	shalt  }
0x86: {  	_ =	shalt  }
0x87: {  	_ =	shalt  }
.Lfunc_end0:
.L_simem_size_0:
called_computation_lowered:
.L_overlay_start_0:
0x88: {  	s2 =	sld [smem:$0x3FD9]  }
0x89: {  	s3 =	sld [smem:$0x3FFE];
	_ =	sdelay $0x1  }
0x8a: {  	s1 =	srdreg.scid  }
0x8b: {  	s0 =	sand.u32 $0x1, s1  }
0x8c: {  	s16 =	sshll.u32 s0, $0xA;
	s2 =	sadd.s32 s3, s2  }
0x8d: {  	s2 =	sadd.s32 s2, s16  }
0x8e: {  	[smem:$0x3FC7] =	sst s2  }
0x8f: {  	_ = 	snop  }
0x90: {  	(tm) =	ssettm $0x1  }
0x91: {  	s17 =	sld [smem:$0x3FFB];
	_ =	sdelay $0x3  }
0x92: {  	_ =	strace s17  }
0x93: {  	s2 =	sld [smem:$0x3FFC];
	_ =	sdelay $0x3  }
0x94: {  	_ =	strace s2  }
0x95: {  	s2 =	sld [smem:$0x3FFD];
	_ =	sdelay $0x3  }
0x96: {  	_ =	strace s2  }
0x97: {  	_ =	strace $0x8FFFFFFF  }
0x98: {  	s18 =	sld [smem:$0x3FDB];
	_ =	sdelay $0x1  }
0x99: {  	s19 =	simm.s32 $_scs_section_size  }
0x9a: {  	s4 =	simm.s32 $_size__tile_overlayer_lowered;
	s5 =	simm.s32 $_tile_overlayer_lowered  }
0x9b: {  	s22 =	simm.s32 $0x1BFF;
	s21 =	sshll.u32 s5, $0x1;
	s2 =	sadd.s32 s19, s18  }
0x9c: {  	s6 =	simm.s32 $0x0;
	s20 =	sshll.u32 s4, $0x1;
	s4 =	sadd.s32 s21, s2  }
0x9d: {  	[timem:s6], [sflag:s22] =	dma.local [hbm:s4], s20  }
0x9e: {  	_ =	swait.ge [sflag:s22], s20  }
0x9f: {  	s3 =	ssub.s32 $0x0, s20;
	[sflag:s22] =	ssyncset.done $0x0  }
0xa0: {  	[sflag:s22] =	ssyncadd.s32 s3;
	_ =	sdelay $0x1  }
0xa1: {  	s23 =	simm.s32 $0x1B8B  }
0xa2: {  	_ =	swait.ge [sflag:s23], $0x1  }
0xa3: {  	[sflag:s23] =	ssyncset.done $0x0  }
0xa4: {  	s25 =	simm.s32 $0x1B8E;
	s24 =	sld [smem:$0x3FFE];
	[sflag:s23] =	ssyncadd.s32 $0xFFFFFFFF  }
0xa5: {  	s26 =	simm.s32 $execute0_lowered;
	[smem:$0x3FD2] =	sst s25  }
0xa6: {  	s4 =	sshll.u32 s26, $0x1;
	_ =	strace $0x80000046;
	[dreg:$0x1] =	wrdreg $0xFFFFFFFF  }
0xa7: {  	s28 =	simm.s32 $_size_execute0_lowered;
	s2 =	sadd.s32 s2, s4;
	[dreg:$0x0] =	wrdreg $0x0  }
0xa8: {  	s4 =	sshll.u32 s28, $0x1;
	[dreg:$0x2] =	wrdreg s2  }
0xa9: {  	[dreg:$0x3] =	wrdreg s4  }
0xaa: {  	[dreg:$0x4] =	wrdreg $0xC0  }
0xab: {  	_ =	task [dreg:s6], $0x5FFFF  }
0xac: {  	[dreg:$0x1] =	wrdreg $0xFFFFFFFF  }
0xad: {  	[dreg:$0x0] =	wrdreg $0x60  }
0xae: {  	[dreg:$0x2] =	wrdreg s24  }
0xaf: {  	[dreg:$0x3] =	wrdreg $0x9  }
0xb0: {  	_ =	task.clear_ibuf [dreg:s6], $0x4FFFF;
	_ =	strace $0x90000046  }
0xb1: {  	s29 =	simm.s32 $0x9;
	_ =	strace $0x80000048  }
0xb2: {  	_ =	swait.ge [sflag:s29], $0x1  }
0xb3: {  	[sflag:s29] =	ssyncadd.s32 $0xFFFFFFFF  }
0xb4: {  	_ =	strace $0x90000048  }
0xb5: {  	_ =	sfence  }
0xb6: {  	s30 =	sld [smem:$0x0];
	_ =	sdelay $0x2  }
0xb7: {  	s31 =	sshll.u32 s1, $0xD;
	s1 =	sshrl.u32 s1, $0x2  }
0xb8: {  	s3 =	sand.u32 $0x4000, s31;
	s1 =	sadd.s32 s1, s30  }
0xb9: {  	s0 =	sor.u32 s3, s0;
	s1 =	sshll.u32 s1, $0x11  }
0xba: {  	s0 =	sor.u32 s1, s0  }
0xbb: {  	s0 =	sadd.s32 $0x8F2B, s0  }
0xbc: {  	[sflag:s0] =	ssyncadd.remote.s32 $0x1  }
0xbd: {  	_ =	sfence.sel $0xFFFF  }
0xbe: {  	[dreg:$0x0] =	wrdreg $0xFFFFFFFF;
	(pc) =	sbr.abs _section_cstart, $3  }
0xbf: {  	[dreg:$0x1] =	wrdreg $0xFFFFFFFF  }
0xc0: {  	_ =	task.clear_ibuf [dreg:s6], $0x2FFFF;
	_ =	strace $0x9FFFFFFF  }
0xc1: {  	(tm) =	ssettm $0x7FFFFFFF  }
tec
execute0_lowered:
.L_overlay_start_1:
0x0: {  	(tag) =	ssettag $0x1  }
0x1: {  	s8 =	rddreg [dreg:$0x0]  }
0x2: {  	s0 =	rddreg [dreg:$0x1];
	s1 =	simm.s32 $0x0  }
0x3: {  	[smem:$0x7FF] =	sst s1  }
0x4: {  	s2 =	simm.s32 $0x1;
	s4 =	sadd.s32 $0xA00, s8;
	_ =	strace $0x80000047  }
0x5: {  	[tilespmem:s1], [sflag:$0x1] =	stream.linear.gather [hbm4b:s4+s1], $0x80, $0x38;
	[tilespmem:$0x180] =	vst v63  }
0x6: {  	_ =	swait.ge [sflag:s2], $0x80  }
0x7: {  	s3 =	stileid.u32;
	[sflag:s2] =	ssyncset.done $0x0  }
0x8: {  	s6 =	simm.s32 $0x80;
	s5 =	sadd.s32 $0x600, s8;
	[sflag:s2] =	ssyncadd.s32 $0xFFFFFF80  }
0x9: {  	[tilespmem:s6], [sflag:$0x1] =	stream.linear.gather [hbm4b:s5+s1], $0x80, $0x38;
	[tilespmem:$0x180] =	vst v63  }
0xa: {  	s7 =	sshll.u32 s3, $0x4;
	_ =	swait.ge [sflag:s2], $0x80  }
0xb: {  	s7 =	sand.u32 $0xC0, s7;
	[sflag:s2] =	ssyncset.done $0x0  }
0xc: {  	s9 =	srdreg.scid;
	s7 =	sshrl.u32 s7, $0x2;
	[sflag:s2] =	ssyncadd.s32 $0xFFFFFF80  }
0xd: {  	s10 =	sand.u32 $0x1, s9;
	s26 =	sshll.u32 s3, $0x1;
	v0 =	vld [tilespmem:s7+$0x80]  }
0xe: {  	s11 =	sor.u32 s10, s26  }
0xf: {  	s9 =	sshll.u32 s11, $0x1  }
0x10: {  	s9 =	sand.u32 $0xE, s9  }
0x11: {  	v2 =	vlaneseq.u32;
	v1 =	vmov s9  }
0x12: {  	vm0 =	veq.s32 v1, v2;
	v0 =	vxor.u32 $0x80000000, v0  }
0x13: {  	v0 =	vnsel vm0, $0x80000000, v0  }
0x14: {  	(xrf0) =	vmax.scan.msk.u32 $0xffff, v0;
	_ =	sdelay $0x5  }
0x15: {  	v0, _, _ =	vpop (xrf0)  }
0x16: {  	(v2sf) =	vpush v0, $0xF;
	_ =	sdelay $0xc  }
0x17: {  	v0 =	vld [tilespmem:$0x0]  }
0x18: {  	v1 =	vld [tilespmem:$0x20]  }
0x19: {  	v3 =	vld [tilespmem:$0x30];
	s28 =	spop (v2sf)  }
0x1a: {  	v4 =	vld [tilespmem:$0x10];
	s9 =	sxor.u32 $0x80000000, s28  }
0x1b: {  	s9 =	ssub.s32 $0x1, s9  }
0x1c: {  	v0 =	vmul.u32 s9, v0  }
0x1d: {  	v1 =	vmul.u32 s9, v1  }
0x1e: {  	[tilespmem:$0x100] =	vst v0;
	v0 =	vmul.u32 s9, v3  }
0x1f: {  	v3 =	vmul.u32 s9, v4;
	[tilespmem:$0x120] =	vst v1  }
0x20: {  	s12 =	sadd.s32 $0xC00, s8;
	s29 =	sshll.u32 s11, $0x4;
	[tilespmem:$0x130] =	vst v0  }
0x21: {  	s8 =	simm.s32 $0x100;
	s9 =	sadd.s32 s12, s29;
	[tilespmem:$0x110] =	vst v3  }
0x22: {  	[hbm4b:s9+s1] =	stream.linear.scatter [tilespmem:s8], [sflag:$0x1], $0x40, $0x38;
	[tilespmem:$0x180] =	vst v63  }
0x23: {  	_ =	swait.ge [sflag:s2], $0x40  }
0x24: {  	[sflag:s2] =	ssyncset.done $0x0  }
0x25: {  	[sflag:s2] =	ssyncadd.s32 $0xFFFFFFC0  }
0x26: {  	v0 =	vld [tilespmem:s7+$0x80];
	_ =	sdelay $0x1  }
0x27: {  	s11 =	sshllo.u32 s11, $0x1  }
0x28: {  	s13 =	sand.u32 $0xF, s11  }
0x29: {  	v1 =	vmov s13  }
0x2a: {  	vm1 =	veq.s32 v1, v2;
	v0 =	vxor.u32 $0x80000000, v0  }
0x2b: {  	v0 =	vnsel vm1, $0x80000000, v0  }
0x2c: {  	(xrf0) =	vmax.scan.msk.u32 $0xffff, v0;
	_ =	sdelay $0x5  }
0x2d: {  	v0, _, _ =	vpop (xrf0)  }
0x2e: {  	(v2sf) =	vpush v0, $0xF;
	_ =	sdelay $0xa  }
0x2f: {  	s10 =	ssub.s32 $0x2, s10  }
0x30: {  	s14 =	sshrl.u32 s10, $0x1;
	v1 =	vld [tilespmem:$0x20]  }
0x31: {  	s10 =	ssub.s32 s10, s14;
	v0 =	vld [tilespmem:$0x0]  }
0x32: {  	s14 =	smax.u32 s10, $0x1;
	v2 =	vld [tilespmem:$0x10]  }
0x33: {  	p0 =	sne.s32 s14, $0x1;
	v3 =	vld [tilespmem:$0x30];
	s30 =	spop (v2sf)  }
.Ltmp0:
0x34: {  	s13 =	sxor.u32 $0x80000000, s30;
	(pc) =	sbr.rel @!p0 .LBB2_2-.Ltmp0, $4  }
0x35: {  	s13 =	ssub.s32 $0x1, s13  }
0x36: {  	v63 =	vmul.u32 s13, v0  }
0x37: {  	s31 =	sshll.u32 s11, $0x3;
	v0 =	vmul.u32 s13, v2;
	v2 =	vmul.u32 s13, v1  }
0x38: {  	s10 =	sadd.s32 s12, s31;
	s11 =	sadd.s32 $0xFFFFFFFF, s14;
	v1 =	vmul.u32 s13, v3;
	[tilespmem:$0x100] =	vst v63  }
.LBB2_1:
0x39: {  	p0 =	sne.s32 s11, $0x1;
	s11 =	sadd.s32 $0xFFFFFFFF, s11;
	[tilespmem:$0x120] =	vst v2  }
0x3a: {  	[tilespmem:$0x110] =	vst v0  }
0x3b: {  	[tilespmem:$0x130] =	vst v1  }
0x3c: {  	[hbm4b:s10+s1] =	stream.linear.scatter [tilespmem:s8], [sflag:$0x1], $0x40, $0x38;
	[tilespmem:$0x180] =	vst v63  }
0x3d: {  	_ =	swait.ge [sflag:s2], $0x40  }
0x3e: {  	[sflag:s2] =	ssyncset.done $0x0  }
0x3f: {  	[sflag:s2] =	ssyncadd.s32 $0xFFFFFFC0  }
0x40: {  	[tilespmem:s1], [sflag:$0x1] =	stream.linear.gather [hbm4b:s4+s1], $0x80, $0x38;
	[tilespmem:$0x180] =	vst v63  }
0x41: {  	_ =	swait.ge [sflag:s2], $0x80  }
0x42: {  	[sflag:s2] =	ssyncset.done $0x0  }
0x43: {  	[sflag:s2] =	ssyncadd.s32 $0xFFFFFF80  }
0x44: {  	[tilespmem:s6], [sflag:$0x1] =	stream.linear.gather [hbm4b:s5+s1], $0x80, $0x38;
	[tilespmem:$0x180] =	vst v63  }
0x45: {  	_ =	swait.ge [sflag:s2], $0x80  }
0x46: {  	[sflag:s2] =	ssyncset.done $0x0  }
0x47: {  	[sflag:s2] =	ssyncadd.s32 $0xFFFFFF80  }
0x48: {  	v0 =	vld [tilespmem:s7+$0x80];
	_ =	sdelay $0x4  }
0x49: {  	v0 =	vxor.u32 $0x80000000, v0  }
0x4a: {  	v0 =	vnsel vm0, $0x80000000, v0  }
0x4b: {  	(xrf0) =	vmax.scan.msk.u32 $0xffff, v0;
	_ =	sdelay $0x5  }
0x4c: {  	v0, _, _ =	vpop (xrf0)  }
0x4d: {  	(v2sf) =	vpush v0, $0xF;
	_ =	sdelay $0xa  }
0x4e: {  	v0 =	vld [tilespmem:$0x20]  }
0x4f: {  	v1 =	vld [tilespmem:$0x10]  }
0x50: {  	v2 =	vld [tilespmem:$0x0]  }
0x51: {  	v3 =	vld [tilespmem:$0x30]  }
0x52: {  	s12 =	spop (v2sf)  }
0x53: {  	s12 =	sxor.u32 $0x80000000, s12  }
0x54: {  	s12 =	ssub.s32 $0x1, s12  }
0x55: {  	v2 =	vmul.u32 s12, v2;
	v1 =	vmul.u32 s12, v1;
	v0 =	vmul.u32 s12, v0  }
0x56: {  	v3 =	vmul.u32 s12, v3  }
0x57: {  	[tilespmem:$0x100] =	vst v2  }
0x58: {  	[tilespmem:$0x120] =	vst v0  }
0x59: {  	[tilespmem:$0x130] =	vst v3  }
0x5a: {  	[tilespmem:$0x110] =	vst v1  }
0x5b: {  	[hbm4b:s9+s1] =	stream.linear.scatter [tilespmem:s8], [sflag:$0x1], $0x40, $0x38;
	[tilespmem:$0x180] =	vst v63  }
0x5c: {  	_ =	swait.ge [sflag:s2], $0x40  }
0x5d: {  	[sflag:s2] =	ssyncset.done $0x0  }
0x5e: {  	[sflag:s2] =	ssyncadd.s32 $0xFFFFFFC0  }
0x5f: {  	v0 =	vld [tilespmem:s7+$0x80];
	_ =	sdelay $0x4  }
0x60: {  	v0 =	vxor.u32 $0x80000000, v0  }
0x61: {  	v0 =	vnsel vm1, $0x80000000, v0  }
0x62: {  	(xrf0) =	vmax.scan.msk.u32 $0xffff, v0;
	_ =	sdelay $0x5  }
0x63: {  	v0, _, _ =	vpop (xrf0)  }
0x64: {  	(v2sf) =	vpush v0, $0xF;
	_ =	sdelay $0xa  }
0x65: {  	v1 =	vld [tilespmem:$0x20]  }
0x66: {  	v0 =	vld [tilespmem:$0x10]  }
0x67: {  	v2 =	vld [tilespmem:$0x0]  }
0x68: {  	v3 =	vld [tilespmem:$0x30]  }
0x69: {  	s12 =	spop (v2sf)  }
.Ltmp1:
0x6a: {  	s12 =	sxor.u32 $0x80000000, s12;
	(pc) =	sbr.rel @p0 .LBB2_1-.Ltmp1, $4  }
0x6b: {  	s12 =	ssub.s32 $0x1, s12  }
0x6c: {  	v4 =	vmul.u32 s12, v2;
	v0 =	vmul.u32 s12, v0;
	v2 =	vmul.u32 s12, v1  }
0x6d: {  	v1 =	vmul.u32 s12, v3  }
0x6e: {  	[tilespmem:$0x100] =	vst v4  }
.LBB2_2:
0x6f: {  	[tilespmem:$0x120] =	vst v2  }
0x70: {  	[tilespmem:$0x110] =	vst v0  }
0x71: {  	[tilespmem:$0x130] =	vst v1  }
0x72: {  	[hbm4b:s10+s1] =	stream.linear.scatter [tilespmem:s8], [sflag:$0x1], $0x40, $0x38;
	[tilespmem:$0x180] =	vst v63  }
0x73: {  	_ =	swait.ge [sflag:s2], $0x40  }
0x74: {  	[sflag:s2] =	ssyncset.done $0x0  }
0x75: {  	[sflag:s2] =	ssyncadd.s32 $0xFFFFFFC0  }
0x76: {  	_ =	sfence.sel $0x180000  }
0x77: {  	[bflag:$0x0] =	sbarrier.arrive $0xFFFF  }
0x78: {  	p0 =	sne.s32 s3, $0x0;
	_ =	strace $0x90000047  }
0x79: {  	s0 =	sadd.s32 @!p0 $0x100000, s0;
	[bflag:$0x2] =	sbarrier.arrive $0xFFFF  }
0x7a: {  	[sflag:s0] =	ssyncadd.tile.s32 @!p0 $0x1;
	_ =	shalt  }
.Lfunc_end2:
_tile_overlayer_lowered:
.L_overlay_start_2:
0x7b: {  	(tag) =	ssettag $0x2  }
0x7c: {  	s0 =	rddreg [dreg:$0x0];
	s2 =	stileid.u32  }
0x7d: {  	s1 =	rddreg [dreg:$0x1];
	p0 =	sne.s32 s2, $0x0  }
0x7e: {  	s3 =	rddreg [dreg:$0x2];
	[bflag:$0x3] =	sbarrier.arrive $0xFFFF;
	s2 =	simm.s32 @!p0 $0x1C01  }
0x7f: {  	[timem:s3], [sflag:s2] =	dma.local @!p0 [hbm:s0], s1  }
0x80: {  	s0 =	simm.s32 @!p0 $0x1  }
0x81: {  	_ =	swait.ge @!p0 [sflag:s0], s1  }
0x82: {  	s1 =	ssub.s32 @!p0 $0x0, s1;
	[sflag:s0] =	ssyncset.done @!p0 $0x0  }
0x83: {  	[sflag:s0] =	ssyncadd.s32 @!p0 s1  }
0x84: {  	[bflag:$0x3] =	sbarrier.arrive $0xFFFF  }
0x85: {  	_ =	shalt  }

</sc_bundles>
